<compile_context>
chip_gen: v7x
topology: tpu7x:2x2x1
jax: 0.10.2.dev20260603
libtpu: 0.0.44.dev20260713+nightly
codegen_flags: <defaults>
</compile_context>

<pallas_src>
import functools

import jax
import jax.numpy as jnp
from jax import lax
from jax.experimental import pallas as pl
from jax.experimental.pallas import tpu as pltpu
from jax.experimental.pallas import tpu_sc as plsc

_EPS = 1e-6
_NC = 2
_NS = 16
_NW = _NC * _NS

_CHUNK = 256
_GB = 128
_NGB = _CHUNK // _GB


def _make_sc_gather(total_rows, d2):
    rows_per_w = total_rows // _NW
    n_chunks = rows_per_w // _CHUNK

    mesh = plsc.VectorSubcoreMesh(
        core_axis_name="c", subcore_axis_name="s",
        num_cores=_NC, num_subcores=_NS,
    )

    @functools.partial(
        pl.kernel,
        out_type=jax.ShapeDtypeStruct((total_rows, d2), jnp.float32),
        mesh=mesh,
        compiler_params=pltpu.CompilerParams(needs_layout_passes=False),
        scratch_types=(
            [pltpu.VMEM((_GB,), jnp.int32) for _ in range(_NGB)]
            + [pltpu.VMEM((_GB, d2), jnp.float32) for _ in range(_NGB)]
            + [pltpu.SemaphoreType.DMA for _ in range(2 * _NGB)]
        ),
    )
    def gather(table_hbm, idx2_hbm, out_hbm, *refs):
        idx2_vs = refs[:_NGB]
        bufs = refs[_NGB:2 * _NGB]
        gsems = refs[2 * _NGB:3 * _NGB]
        wsems = refs[3 * _NGB:]
        wid = lax.axis_index("s") * _NC + lax.axis_index("c")
        base = wid * rows_per_w

        def chunk(ci, first):
            row0 = base + ci * _CHUNK
            for j in range(_NGB):
                r = row0 + j * _GB
                if not first:
                    pltpu.make_async_copy(
                        bufs[j], out_hbm.at[pl.ds(base, _GB)], wsems[j]
                    ).wait()
                pltpu.sync_copy(idx2_hbm.at[pl.ds(r, _GB)], idx2_vs[j])
                pltpu.async_copy(table_hbm.at[idx2_vs[j]], bufs[j],
                                 gsems[j])
            for j in range(_NGB):
                r = row0 + j * _GB
                pltpu.make_async_copy(
                    table_hbm.at[idx2_vs[j]], bufs[j], gsems[j]
                ).wait()
                pltpu.async_copy(bufs[j], out_hbm.at[pl.ds(r, _GB)],
                                 wsems[j])

        chunk(0, True)
        lax.fori_loop(1, n_chunks, lambda ci, _: (chunk(ci, False), _)[1],
                      None)
        for j in range(_NGB):
            pltpu.make_async_copy(
                bufs[j], out_hbm.at[pl.ds(base, _GB)], wsems[j]
            ).wait()

    return gather


def _tc_norm_kernel(pr_ref, x_ref, pe_ref, w_ref, o_ref):
    pr = pr_ref[...]
    xp = x_ref[...]
    odd = lax.bitwise_and(xp, jnp.int32(1))
    e = jnp.where(odd == 1, pr[:, :, 64:], pr[:, :, :64])
    e = jnp.where(xp == 0, 0.0, e)
    h = e + pe_ref[...]
    var = jnp.mean(h * h, axis=-1, keepdims=True)
    o_ref[...] = h * lax.rsqrt(var + _EPS) * w_ref[...]


def _tc_norm(paired, x3, pe3, w3, bb):
    b, s, _ = x3.shape
    d = pe3.shape[-1]
    return pl.pallas_call(
        _tc_norm_kernel,
        grid=(b // bb,),
        in_specs=[
            pl.BlockSpec((bb, s, 2 * d), lambda i: (i, 0, 0)),
            pl.BlockSpec((bb, s, 1), lambda i: (i, 0, 0)),
            pl.BlockSpec((1, s, d), lambda i: (0, 0, 0)),
            pl.BlockSpec((1, 1, d), lambda i: (0, 0, 0)),
        ],
        out_specs=pl.BlockSpec((bb, s, d), lambda i: (i, 0, 0)),
        out_shape=jax.ShapeDtypeStruct((b, s, d), jnp.float32),
    )(paired, x3, pe3, w3)


def kernel(x, table, weight, pe):
    b, s = x.shape
    d = table.shape[1]
    xf = x.reshape(-1).astype(jnp.int32)
    xf2 = lax.shift_right_logical(xf, 1)
    table2 = table.reshape(table.shape[0] // 2, 2 * d)
    pe3 = pe[:, :s, :].astype(jnp.float32)
    paired = _make_sc_gather(b * s, 2 * d)(table2, xf2)
    paired = paired.reshape(b, s, 2 * d)
    x3 = x.astype(jnp.int32).reshape(b, s, 1)
    w3 = weight.reshape(1, 1, d)
    out = _tc_norm(paired, x3, pe3, w3, 32)
    return out.reshape(b, s, d)

# --- scband reference (transcript-rebuilt; emitter-appended) ---
"""Pipeline reference for scband-embedding-86603720556557 (READ-ONLY COPY).

The authoritative reference and input builder live on the scoring server;
editing this copy changes nothing except your own understanding.
"""

import jax, jax.numpy as jnp
import numpy as np
import math

D_MODEL = 64
VOCAB = 1000000
MAXLEN = 256
EPS = 1e-6

def _make_pe(maxlen, d_model):
    pe = np.zeros((maxlen, d_model), dtype=np.float32)
    position = np.arange(0, maxlen, dtype=np.float32)[:, None]
    div_term = np.exp(np.arange(0, d_model, 2, dtype=np.float32) * -(math.log(10000.0) / d_model))
    pe[:, 0::2] = np.sin(position * div_term)
    pe[:, 1::2] = np.cos(position * div_term)
    return jnp.asarray(pe[None, :, :])  # [1, maxlen, d_model]

def setup_inputs(seed: int = 0) -> dict:
    key = jax.random.key(seed)
    k1, k2 = jax.random.split(key)
    x = jax.random.randint(k1, (4096, 200), 0, VOCAB, dtype=jnp.int64) if jax.config.jax_enable_x64 else jax.random.randint(k1, (4096, 200), 0, VOCAB, dtype=jnp.int32)
    table = jax.random.normal(k2, (VOCAB, D_MODEL), dtype=jnp.float32) * 0.02
    weight = jnp.ones((D_MODEL,), dtype=jnp.float32)
    pe = _make_pe(MAXLEN, D_MODEL)
    return {"x": x, "table": table, "weight": weight, "pe": pe}

def _rmsnorm(h, weight):
    h = h.astype(jnp.float32)
    variance = jnp.mean(jnp.square(h), axis=-1, keepdims=True)
    h = h * jax.lax.rsqrt(variance + EPS)
    return weight * h

def reference(x, table, weight, pe):
    # padding_idx=0: row 0 of the embedding table is zero
    table_eff = table.at[0].set(0.0)
    emb = jnp.take(table_eff, x, axis=0)  # [B, S, D] gather
    emb = emb + pe[:, :x.shape[1]]        # absolute sinusoidal PE (rpe=False)
    return _rmsnorm(emb, weight)

if __name__ == "__main__":
    import jax
    _d = setup_inputs()
    print(jax.jit(kernel)(*tuple(_d.values())))

</pallas_src>

<mosaic_0001>
#map = affine_map<(d0, d1) -> (0, 0)>
#map1 = affine_map<(d0, d1) -> (0)>
module attributes {stable_mosaic.version = 14 : i64} {
  func.func @gather(%arg0: i32, %arg1: i32, %arg2: memref<500000x128xf32, #tpu.memory_space<hbm>>, %arg3: memref<819200xi32, #tpu.memory_space<hbm>>, %arg4: memref<819200x128xf32, #tpu.memory_space<hbm>>, %arg5: memref<128xi32, #tpu.memory_space<vmem>>, %arg6: memref<128xi32, #tpu.memory_space<vmem>>, %arg7: memref<128x128xf32, #tpu.memory_space<vmem>>, %arg8: memref<128x128xf32, #tpu.memory_space<vmem>>, %arg9: memref<!tpu.dma_semaphore, #tpu.memory_space<semaphore_mem>>, %arg10: memref<!tpu.dma_semaphore, #tpu.memory_space<semaphore_mem>>, %arg11: memref<!tpu.dma_semaphore, #tpu.memory_space<semaphore_mem>>, %arg12: memref<!tpu.dma_semaphore, #tpu.memory_space<semaphore_mem>>) attributes {dimension_semantics = [#tpu.dimension_semantics<core_parallel>, #tpu.dimension_semantics<subcore_parallel>], iteration_bounds = array<i64: 2, 16>, scalar_prefetch = 0 : i64, scratch_operands = 8 : i64, tpu.core_type = #tpu.core_type<sc_vector_subcore>, window_params = [{transform_indices = #map}, {transform_indices = #map1}, {transform_indices = #map}]} {
    %mul3A = arith.constant 2 : i32
    %mul3A_0 = arith.muli %arg1, %mul3A : i32
    %add3A = arith.addi %mul3A_0, %arg0 : i32
    %mul3A_1 = arith.constant 25600 : i32
    %mul3A_2 = arith.muli %add3A, %mul3A_1 : i32
    %add3A_3 = arith.constant 0 : i32
    %add3A_4 = arith.addi %mul3A_2, %add3A_3 : i32
    %add3A_5 = arith.constant 0 : i32
    %add3A_6 = arith.addi %add3A_4, %add3A_5 : i32
    "tpu.region"() ({
      %run_scoped3A = tpu.sem_alloc : memref<!tpu.dma_semaphore, #tpu.memory_space<semaphore_mem>>
      %dma_start3A_43 = tpu.memref_slice %arg3[%add3A_6] : memref<819200xi32, #tpu.memory_space<hbm>> -> memref<128xi32, #tpu.memory_space<hbm>>
      %dma_start3A_44 = tpu.memref_slice %arg3[%add3A_6] : memref<819200xi32, #tpu.memory_space<hbm>> -> memref<128xi32, #tpu.memory_space<hbm>>
      tpu.enqueue_dma source(%dma_start3A_44 : memref<128xi32, #tpu.memory_space<hbm>>) target(%arg5 : memref<128xi32, #tpu.memory_space<vmem>>) target_semaphore(%run_scoped3A : memref<!tpu.dma_semaphore, #tpu.memory_space<semaphore_mem>>)
      %dma_wait3A_45 = tpu.memref_slice %arg3[%add3A_6] : memref<819200xi32, #tpu.memory_space<hbm>> -> memref<128xi32, #tpu.memory_space<hbm>>
      %dma_wait3A_46 = tpu.memref_slice %arg3[%add3A_6] : memref<819200xi32, #tpu.memory_space<hbm>> -> memref<128xi32, #tpu.memory_space<hbm>>
      tpu.wait_dma2 semaphore(%run_scoped3A : memref<!tpu.dma_semaphore, #tpu.memory_space<semaphore_mem>>) src(%dma_wait3A_46 : memref<128xi32, #tpu.memory_space<hbm>>) dst(%arg5 : memref<128xi32, #tpu.memory_space<vmem>>)
      tpu.yield
    }) : () -> ()
    %dma_start3A = arith.constant 0 : i32
    %dma_start3A_7 = arith.constant 0 : i32
    %dma_start3A_8 = tpu.memref_slice %arg2[%dma_start3A, %dma_start3A_7] : memref<500000x128xf32, #tpu.memory_space<hbm>> -> memref<500000x128xf32, #tpu.memory_space<hbm>>
    tpu.enqueue_indirect_dma source(%dma_start3A_8 : memref<500000x128xf32, #tpu.memory_space<hbm>>) target(%arg7 : memref<128x128xf32, #tpu.memory_space<vmem>>) offsets(%arg5 : memref<128xi32, #tpu.memory_space<vmem>>) semaphore(%arg9 : memref<!tpu.dma_semaphore, #tpu.memory_space<semaphore_mem>>)
    %add3A_9 = arith.constant 128 : i32
    %add3A_10 = arith.addi %add3A_4, %add3A_9 : i32
    "tpu.region"() ({
      %run_scoped3A = tpu.sem_alloc : memref<!tpu.dma_semaphore, #tpu.memory_space<semaphore_mem>>
      %dma_start3A_43 = tpu.memref_slice %arg3[%add3A_10] : memref<819200xi32, #tpu.memory_space<hbm>> -> memref<128xi32, #tpu.memory_space<hbm>>
      %dma_start3A_44 = tpu.memref_slice %arg3[%add3A_10] : memref<819200xi32, #tpu.memory_space<hbm>> -> memref<128xi32, #tpu.memory_space<hbm>>
      tpu.enqueue_dma source(%dma_start3A_44 : memref<128xi32, #tpu.memory_space<hbm>>) target(%arg6 : memref<128xi32, #tpu.memory_space<vmem>>) target_semaphore(%run_scoped3A : memref<!tpu.dma_semaphore, #tpu.memory_space<semaphore_mem>>)
      %dma_wait3A_45 = tpu.memref_slice %arg3[%add3A_10] : memref<819200xi32, #tpu.memory_space<hbm>> -> memref<128xi32, #tpu.memory_space<hbm>>
      %dma_wait3A_46 = tpu.memref_slice %arg3[%add3A_10] : memref<819200xi32, #tpu.memory_space<hbm>> -> memref<128xi32, #tpu.memory_space<hbm>>
      tpu.wait_dma2 semaphore(%run_scoped3A : memref<!tpu.dma_semaphore, #tpu.memory_space<semaphore_mem>>) src(%dma_wait3A_46 : memref<128xi32, #tpu.memory_space<hbm>>) dst(%arg6 : memref<128xi32, #tpu.memory_space<vmem>>)
      tpu.yield
    }) : () -> ()
    %dma_start3A_11 = arith.constant 0 : i32
    %dma_start3A_12 = arith.constant 0 : i32
    %dma_start3A_13 = tpu.memref_slice %arg2[%dma_start3A_11, %dma_start3A_12] : memref<500000x128xf32, #tpu.memory_space<hbm>> -> memref<500000x128xf32, #tpu.memory_space<hbm>>
    tpu.enqueue_indirect_dma source(%dma_start3A_13 : memref<500000x128xf32, #tpu.memory_space<hbm>>) target(%arg8 : memref<128x128xf32, #tpu.memory_space<vmem>>) offsets(%arg6 : memref<128xi32, #tpu.memory_space<vmem>>) semaphore(%arg10 : memref<!tpu.dma_semaphore, #tpu.memory_space<semaphore_mem>>)
    %add3A_14 = arith.constant 0 : i32
    %add3A_15 = arith.addi %add3A_4, %add3A_14 : i32
    %dma_wait3A = arith.constant 0 : i32
    %dma_wait3A_16 = arith.constant 0 : i32
    %dma_wait3A_17 = tpu.memref_slice %arg2[%dma_wait3A, %dma_wait3A_16] : memref<500000x128xf32, #tpu.memory_space<hbm>> -> memref<500000x128xf32, #tpu.memory_space<hbm>>
    tpu.wait_indirect_dma semaphore(%arg9 : memref<!tpu.dma_semaphore, #tpu.memory_space<semaphore_mem>>) src(%dma_wait3A_17 : memref<500000x128xf32, #tpu.memory_space<hbm>>) dst(%arg7 : memref<128x128xf32, #tpu.memory_space<vmem>>)
    %dma_start3A_18 = arith.constant 0 : i32
    %dma_start3A_19 = tpu.memref_slice %arg4[%add3A_15, %dma_start3A_18] : memref<819200x128xf32, #tpu.memory_space<hbm>> -> memref<128x128xf32, #tpu.memory_space<hbm>>
    %dma_start3A_20 = arith.constant 0 : i32
    %dma_start3A_21 = tpu.memref_slice %arg4[%add3A_15, %dma_start3A_20] : memref<819200x128xf32, #tpu.memory_space<hbm>> -> memref<128x128xf32, #tpu.memory_space<hbm>>
    tpu.enqueue_dma source(%arg7 : memref<128x128xf32, #tpu.memory_space<vmem>>) target(%dma_start3A_21 : memref<128x128xf32, #tpu.memory_space<hbm>>) target_semaphore(%arg11 : memref<!tpu.dma_semaphore, #tpu.memory_space<semaphore_mem>>)
    %add3A_22 = arith.constant 128 : i32
    %add3A_23 = arith.addi %add3A_4, %add3A_22 : i32
    %dma_wait3A_24 = arith.constant 0 : i32
    %dma_wait3A_25 = arith.constant 0 : i32
    %dma_wait3A_26 = tpu.memref_slice %arg2[%dma_wait3A_24, %dma_wait3A_25] : memref<500000x128xf32, #tpu.memory_space<hbm>> -> memref<500000x128xf32, #tpu.memory_space<hbm>>
    tpu.wait_indirect_dma semaphore(%arg10 : memref<!tpu.dma_semaphore, #tpu.memory_space<semaphore_mem>>) src(%dma_wait3A_26 : memref<500000x128xf32, #tpu.memory_space<hbm>>) dst(%arg8 : memref<128x128xf32, #tpu.memory_space<vmem>>)
    %dma_start3A_27 = arith.constant 0 : i32
    %dma_start3A_28 = tpu.memref_slice %arg4[%add3A_23, %dma_start3A_27] : memref<819200x128xf32, #tpu.memory_space<hbm>> -> memref<128x128xf32, #tpu.memory_space<hbm>>
    %dma_start3A_29 = arith.constant 0 : i32
    %dma_start3A_30 = tpu.memref_slice %arg4[%add3A_23, %dma_start3A_29] : memref<819200x128xf32, #tpu.memory_space<hbm>> -> memref<128x128xf32, #tpu.memory_space<hbm>>
    tpu.enqueue_dma source(%arg8 : memref<128x128xf32, #tpu.memory_space<vmem>>) target(%dma_start3A_30 : memref<128x128xf32, #tpu.memory_space<hbm>>) target_semaphore(%arg12 : memref<!tpu.dma_semaphore, #tpu.memory_space<semaphore_mem>>)
    %scan3A = arith.constant 1 : i32
    %scan3A_31 = arith.constant 99 : i32
    %scan3A_32 = arith.addi %scan3A, %scan3A_31 : i32
    %scan3A_33 = arith.constant 1 : i32
    scf.for %scan3A_43 = %scan3A to %scan3A_32 step %scan3A_33  : i32 {
      %mul3A_44 = arith.constant 256 : i32
      %mul3A_45 = arith.muli %scan3A_43, %mul3A_44 : i32
      %add3A_46 = arith.addi %mul3A_2, %mul3A_45 : i32
      %add3A_47 = arith.constant 0 : i32
      %add3A_48 = arith.addi %add3A_46, %add3A_47 : i32
      %dma_wait3A_49 = arith.constant 0 : i32
      %dma_wait3A_50 = tpu.memref_slice %arg4[%mul3A_2, %dma_wait3A_49] : memref<819200x128xf32, #tpu.memory_space<hbm>> -> memref<128x128xf32, #tpu.memory_space<hbm>>
      %dma_wait3A_51 = arith.constant 0 : i32
      %dma_wait3A_52 = tpu.memref_slice %arg4[%mul3A_2, %dma_wait3A_51] : memref<819200x128xf32, #tpu.memory_space<hbm>> -> memref<128x128xf32, #tpu.memory_space<hbm>>
      tpu.wait_dma2 semaphore(%arg11 : memref<!tpu.dma_semaphore, #tpu.memory_space<semaphore_mem>>) src(%arg7 : memref<128x128xf32, #tpu.memory_space<vmem>>) dst(%dma_wait3A_52 : memref<128x128xf32, #tpu.memory_space<hbm>>)
      "tpu.region"() ({
        %run_scoped3A = tpu.sem_alloc : memref<!tpu.dma_semaphore, #tpu.memory_space<semaphore_mem>>
        %dma_start3A_83 = tpu.memref_slice %arg3[%add3A_48] : memref<819200xi32, #tpu.memory_space<hbm>> -> memref<128xi32, #tpu.memory_space<hbm>>
        %dma_start3A_84 = tpu.memref_slice %arg3[%add3A_48] : memref<819200xi32, #tpu.memory_space<hbm>> -> memref<128xi32, #tpu.memory_space<hbm>>
        tpu.enqueue_dma source(%dma_start3A_84 : memref<128xi32, #tpu.memory_space<hbm>>) target(%arg5 : memref<128xi32, #tpu.memory_space<vmem>>) target_semaphore(%run_scoped3A : memref<!tpu.dma_semaphore, #tpu.memory_space<semaphore_mem>>)
        %dma_wait3A_85 = tpu.memref_slice %arg3[%add3A_48] : memref<819200xi32, #tpu.memory_space<hbm>> -> memref<128xi32, #tpu.memory_space<hbm>>
        %dma_wait3A_86 = tpu.memref_slice %arg3[%add3A_48] : memref<819200xi32, #tpu.memory_space<hbm>> -> memref<128xi32, #tpu.memory_space<hbm>>
        tpu.wait_dma2 semaphore(%run_scoped3A : memref<!tpu.dma_semaphore, #tpu.memory_space<semaphore_mem>>) src(%dma_wait3A_86 : memref<128xi32, #tpu.memory_space<hbm>>) dst(%arg5 : memref<128xi32, #tpu.memory_space<vmem>>)
        tpu.yield
      }) : () -> ()
      %dma_start3A_53 = arith.constant 0 : i32
      %dma_start3A_54 = arith.constant 0 : i32
      %dma_start3A_55 = tpu.memref_slice %arg2[%dma_start3A_53, %dma_start3A_54] : memref<500000x128xf32, #tpu.memory_space<hbm>> -> memref<500000x128xf32, #tpu.memory_space<hbm>>
      tpu.enqueue_indirect_dma source(%dma_start3A_55 : memref<500000x128xf32, #tpu.memory_space<hbm>>) target(%arg7 : memref<128x128xf32, #tpu.memory_space<vmem>>) offsets(%arg5 : memref<128xi32, #tpu.memory_space<vmem>>) semaphore(%arg9 : memref<!tpu.dma_semaphore, #tpu.memory_space<semaphore_mem>>)
      %add3A_56 = arith.constant 128 : i32
      %add3A_57 = arith.addi %add3A_46, %add3A_56 : i32
      %dma_wait3A_58 = arith.constant 0 : i32
      %dma_wait3A_59 = tpu.memref_slice %arg4[%mul3A_2, %dma_wait3A_58] : memref<819200x128xf32, #tpu.memory_space<hbm>> -> memref<128x128xf32, #tpu.memory_space<hbm>>
      %dma_wait3A_60 = arith.constant 0 : i32
      %dma_wait3A_61 = tpu.memref_slice %arg4[%mul3A_2, %dma_wait3A_60] : memref<819200x128xf32, #tpu.memory_space<hbm>> -> memref<128x128xf32, #tpu.memory_space<hbm>>
      tpu.wait_dma2 semaphore(%arg12 : memref<!tpu.dma_semaphore, #tpu.memory_space<semaphore_mem>>) src(%arg8 : memref<128x128xf32, #tpu.memory_space<vmem>>) dst(%dma_wait3A_61 : memref<128x128xf32, #tpu.memory_space<hbm>>)
      "tpu.region"() ({
        %run_scoped3A = tpu.sem_alloc : memref<!tpu.dma_semaphore, #tpu.memory_space<semaphore_mem>>
        %dma_start3A_83 = tpu.memref_slice %arg3[%add3A_57] : memref<819200xi32, #tpu.memory_space<hbm>> -> memref<128xi32, #tpu.memory_space<hbm>>
        %dma_start3A_84 = tpu.memref_slice %arg3[%add3A_57] : memref<819200xi32, #tpu.memory_space<hbm>> -> memref<128xi32, #tpu.memory_space<hbm>>
        tpu.enqueue_dma source(%dma_start3A_84 : memref<128xi32, #tpu.memory_space<hbm>>) target(%arg6 : memref<128xi32, #tpu.memory_space<vmem>>) target_semaphore(%run_scoped3A : memref<!tpu.dma_semaphore, #tpu.memory_space<semaphore_mem>>)
        %dma_wait3A_85 = tpu.memref_slice %arg3[%add3A_57] : memref<819200xi32, #tpu.memory_space<hbm>> -> memref<128xi32, #tpu.memory_space<hbm>>
        %dma_wait3A_86 = tpu.memref_slice %arg3[%add3A_57] : memref<819200xi32, #tpu.memory_space<hbm>> -> memref<128xi32, #tpu.memory_space<hbm>>
        tpu.wait_dma2 semaphore(%run_scoped3A : memref<!tpu.dma_semaphore, #tpu.memory_space<semaphore_mem>>) src(%dma_wait3A_86 : memref<128xi32, #tpu.memory_space<hbm>>) dst(%arg6 : memref<128xi32, #tpu.memory_space<vmem>>)
        tpu.yield
      }) : () -> ()
      %dma_start3A_62 = arith.constant 0 : i32
      %dma_start3A_63 = arith.constant 0 : i32
      %dma_start3A_64 = tpu.memref_slice %arg2[%dma_start3A_62, %dma_start3A_63] : memref<500000x128xf32, #tpu.memory_space<hbm>> -> memref<500000x128xf32, #tpu.memory_space<hbm>>
      tpu.enqueue_indirect_dma source(%dma_start3A_64 : memref<500000x128xf32, #tpu.memory_space<hbm>>) target(%arg8 : memref<128x128xf32, #tpu.memory_space<vmem>>) offsets(%arg6 : memref<128xi32, #tpu.memory_space<vmem>>) semaphore(%arg10 : memref<!tpu.dma_semaphore, #tpu.memory_space<semaphore_mem>>)
      %add3A_65 = arith.constant 0 : i32
      %add3A_66 = arith.addi %add3A_46, %add3A_65 : i32
      %dma_wait3A_67 = arith.constant 0 : i32
      %dma_wait3A_68 = arith.constant 0 : i32
      %dma_wait3A_69 = tpu.memref_slice %arg2[%dma_wait3A_67, %dma_wait3A_68] : memref<500000x128xf32, #tpu.memory_space<hbm>> -> memref<500000x128xf32, #tpu.memory_space<hbm>>
      tpu.wait_indirect_dma semaphore(%arg9 : memref<!tpu.dma_semaphore, #tpu.memory_space<semaphore_mem>>) src(%dma_wait3A_69 : memref<500000x128xf32, #tpu.memory_space<hbm>>) dst(%arg7 : memref<128x128xf32, #tpu.memory_space<vmem>>)
      %dma_start3A_70 = arith.constant 0 : i32
      %dma_start3A_71 = tpu.memref_slice %arg4[%add3A_66, %dma_start3A_70] : memref<819200x128xf32, #tpu.memory_space<hbm>> -> memref<128x128xf32, #tpu.memory_space<hbm>>
      %dma_start3A_72 = arith.constant 0 : i32
      %dma_start3A_73 = tpu.memref_slice %arg4[%add3A_66, %dma_start3A_72] : memref<819200x128xf32, #tpu.memory_space<hbm>> -> memref<128x128xf32, #tpu.memory_space<hbm>>
      tpu.enqueue_dma source(%arg7 : memref<128x128xf32, #tpu.memory_space<vmem>>) target(%dma_start3A_73 : memref<128x128xf32, #tpu.memory_space<hbm>>) target_semaphore(%arg11 : memref<!tpu.dma_semaphore, #tpu.memory_space<semaphore_mem>>)
      %add3A_74 = arith.constant 128 : i32
      %add3A_75 = arith.addi %add3A_46, %add3A_74 : i32
      %dma_wait3A_76 = arith.constant 0 : i32
      %dma_wait3A_77 = arith.constant 0 : i32
      %dma_wait3A_78 = tpu.memref_slice %arg2[%dma_wait3A_76, %dma_wait3A_77] : memref<500000x128xf32, #tpu.memory_space<hbm>> -> memref<500000x128xf32, #tpu.memory_space<hbm>>
      tpu.wait_indirect_dma semaphore(%arg10 : memref<!tpu.dma_semaphore, #tpu.memory_space<semaphore_mem>>) src(%dma_wait3A_78 : memref<500000x128xf32, #tpu.memory_space<hbm>>) dst(%arg8 : memref<128x128xf32, #tpu.memory_space<vmem>>)
      %dma_start3A_79 = arith.constant 0 : i32
      %dma_start3A_80 = tpu.memref_slice %arg4[%add3A_75, %dma_start3A_79] : memref<819200x128xf32, #tpu.memory_space<hbm>> -> memref<128x128xf32, #tpu.memory_space<hbm>>
      %dma_start3A_81 = arith.constant 0 : i32
      %dma_start3A_82 = tpu.memref_slice %arg4[%add3A_75, %dma_start3A_81] : memref<819200x128xf32, #tpu.memory_space<hbm>> -> memref<128x128xf32, #tpu.memory_space<hbm>>
      tpu.enqueue_dma source(%arg8 : memref<128x128xf32, #tpu.memory_space<vmem>>) target(%dma_start3A_82 : memref<128x128xf32, #tpu.memory_space<hbm>>) target_semaphore(%arg12 : memref<!tpu.dma_semaphore, #tpu.memory_space<semaphore_mem>>)
    }
    %scan3A_34 = arith.constant 99 : i32
    %dma_wait3A_35 = arith.constant 0 : i32
    %dma_wait3A_36 = tpu.memref_slice %arg4[%mul3A_2, %dma_wait3A_35] : memref<819200x128xf32, #tpu.memory_space<hbm>> -> memref<128x128xf32, #tpu.memory_space<hbm>>
    %dma_wait3A_37 = arith.constant 0 : i32
    %dma_wait3A_38 = tpu.memref_slice %arg4[%mul3A_2, %dma_wait3A_37] : memref<819200x128xf32, #tpu.memory_space<hbm>> -> memref<128x128xf32, #tpu.memory_space<hbm>>
    tpu.wait_dma2 semaphore(%arg11 : memref<!tpu.dma_semaphore, #tpu.memory_space<semaphore_mem>>) src(%arg7 : memref<128x128xf32, #tpu.memory_space<vmem>>) dst(%dma_wait3A_38 : memref<128x128xf32, #tpu.memory_space<hbm>>)
    %dma_wait3A_39 = arith.constant 0 : i32
    %dma_wait3A_40 = tpu.memref_slice %arg4[%mul3A_2, %dma_wait3A_39] : memref<819200x128xf32, #tpu.memory_space<hbm>> -> memref<128x128xf32, #tpu.memory_space<hbm>>
    %dma_wait3A_41 = arith.constant 0 : i32
    %dma_wait3A_42 = tpu.memref_slice %arg4[%mul3A_2, %dma_wait3A_41] : memref<819200x128xf32, #tpu.memory_space<hbm>> -> memref<128x128xf32, #tpu.memory_space<hbm>>
    tpu.wait_dma2 semaphore(%arg12 : memref<!tpu.dma_semaphore, #tpu.memory_space<semaphore_mem>>) src(%arg8 : memref<128x128xf32, #tpu.memory_space<vmem>>) dst(%dma_wait3A_42 : memref<128x128xf32, #tpu.memory_space<hbm>>)
    return
  }
}

module attributes {stable_mosaic.version = 14 : i64} {
  func.func @_tc_norm_kernel(%arg0: i32, %arg1: memref<32x200x128xf32, #tpu.memory_space<vmem>>, %arg2: memref<32x200x1xi32, #tpu.memory_space<vmem>>, %arg3: memref<1x200x64xf32, #tpu.memory_space<vmem>>, %arg4: memref<1x1x64xf32, #tpu.memory_space<vmem>>, %arg5: memref<32x200x64xf32, #tpu.memory_space<vmem>>) attributes {dimension_semantics = [#tpu.dimension_semantics<arbitrary>], iteration_bounds = array<i64: 128>, scalar_prefetch = 0 : i64, scratch_operands = 0 : i64, tpu.core_type = #tpu.core_type<tc>, window_params = [{transform_indices = @transform_0, window_bounds = array<i64: 32, 200, 128>}, {transform_indices = @transform_1, window_bounds = array<i64: 32, 200, 1>}, {pipeline_mode = #tpu.pipeline_mode<synchronous>, transform_indices = @transform_2, window_bounds = array<i64: 1, 200, 64>}, {pipeline_mode = #tpu.pipeline_mode<synchronous>, transform_indices = @transform_3, window_bounds = array<i64: 1, 1, 64>}, {transform_indices = @transform_4, window_bounds = array<i64: 32, 200, 64>}]} {
    %get3A = arith.constant 0 : index
    %get3A_0 = arith.constant 0 : index
    %get3A_1 = arith.constant 0 : index
    %get3A_2 = vector.load %arg1[%get3A, %get3A_0, %get3A_1] : memref<32x200x128xf32, #tpu.memory_space<vmem>>, vector<32x200x128xf32>
    %get3A_3 = arith.constant 0 : index
    %get3A_4 = arith.constant 0 : index
    %get3A_5 = arith.constant 0 : index
    %get3A_6 = vector.load %arg2[%get3A_3, %get3A_4, %get3A_5] : memref<32x200x1xi32, #tpu.memory_space<vmem>>, vector<32x200x1xi32>
    %and3A = arith.constant 1 : i32
    %and3A_7 = vector.broadcast %and3A : i32 to vector<32x200x1xi32>
    %and3A_8 = arith.andi %get3A_6, %and3A_7 : vector<32x200x1xi32>
    %eq3A = arith.constant 1 : i32
    %eq3A_9 = vector.broadcast %eq3A : i32 to vector<32x200x1xi32>
    %eq3A_10 = arith.cmpi eq, %and3A_8, %eq3A_9 : vector<32x200x1xi32>
    %slice3A = vector.extract_strided_slice %get3A_2 {offsets = [0, 0, 64], sizes = [32, 200, 64], strides = [1, 1, 1]} : vector<32x200x128xf32> to vector<32x200x64xf32>
    %slice3A_11 = vector.extract_strided_slice %get3A_2 {offsets = [0, 0, 0], sizes = [32, 200, 64], strides = [1, 1, 1]} : vector<32x200x128xf32> to vector<32x200x64xf32>
    %broadcast_in_dim3A = vector.shape_cast %eq3A_10 : vector<32x200x1xi1> to vector<32x200x1xi1>
    %broadcast_in_dim3A_12 = vector.broadcast %broadcast_in_dim3A : vector<32x200x1xi1> to vector<32x200x64xi1>
    %select_n3A = arith.select %broadcast_in_dim3A_12, %slice3A, %slice3A_11 : vector<32x200x64xi1>, vector<32x200x64xf32>
    %eq3A_13 = arith.constant 0 : i32
    %eq3A_14 = vector.broadcast %eq3A_13 : i32 to vector<32x200x1xi32>
    %eq3A_15 = arith.cmpi eq, %get3A_6, %eq3A_14 : vector<32x200x1xi32>
    %jit3A = arith.constant 0.000000e+00 : f32
    %broadcast_in_dim3A_16 = vector.shape_cast %eq3A_15 : vector<32x200x1xi1> to vector<32x200x1xi1>
    %broadcast_in_dim3A_17 = vector.broadcast %broadcast_in_dim3A_16 : vector<32x200x1xi1> to vector<32x200x64xi1>
    %broadcast_in_dim3A_18 = vector.broadcast %jit3A : f32 to vector<32x200x64xf32>
    %select_n3A_19 = arith.select %broadcast_in_dim3A_17, %broadcast_in_dim3A_18, %select_n3A : vector<32x200x64xi1>, vector<32x200x64xf32>
    %get3A_20 = arith.constant 0 : index
    %get3A_21 = arith.constant 0 : index
    %get3A_22 = arith.constant 0 : index
    %get3A_23 = vector.load %arg3[%get3A_20, %get3A_21, %get3A_22] : memref<1x200x64xf32, #tpu.memory_space<vmem>>, vector<1x200x64xf32>
    %add3A = vector.broadcast %get3A_23 : vector<1x200x64xf32> to vector<32x200x64xf32>
    %add3A_24 = arith.addf %select_n3A_19, %add3A : vector<32x200x64xf32>
    %mul3A = arith.mulf %add3A_24, %add3A_24 : vector<32x200x64xf32>
    %reduce_sum3A = arith.constant dense<0.000000e+00> : vector<32x200xf32>
    %reduce_sum3A_25 = vector.multi_reduction <add>, %mul3A, %reduce_sum3A [2] : vector<32x200x64xf32> to vector<32x200xf32>
    %broadcast_in_dim3A_26 = vector.shape_cast %reduce_sum3A_25 : vector<32x200xf32> to vector<32x200x1xf32>
    %div3A = arith.constant 6.400000e+01 : f32
    %div3A_27 = vector.broadcast %div3A : f32 to vector<32x200x1xf32>
    %div3A_28 = arith.divf %broadcast_in_dim3A_26, %div3A_27 : vector<32x200x1xf32>
    %add3A_29 = arith.constant 9.99999997E-7 : f32
    %add3A_30 = vector.broadcast %add3A_29 : f32 to vector<32x200x1xf32>
    %add3A_31 = arith.addf %div3A_28, %add3A_30 : vector<32x200x1xf32>
    %rsqrt3A = math.rsqrt %add3A_31 : vector<32x200x1xf32>
    %mul3A_32 = vector.broadcast %rsqrt3A : vector<32x200x1xf32> to vector<32x200x64xf32>
    %mul3A_33 = arith.mulf %add3A_24, %mul3A_32 : vector<32x200x64xf32>
    %get3A_34 = arith.constant 0 : index
    %get3A_35 = arith.constant 0 : index
    %get3A_36 = arith.constant 0 : index
    %get3A_37 = vector.load %arg4[%get3A_34, %get3A_35, %get3A_36] : memref<1x1x64xf32, #tpu.memory_space<vmem>>, vector<1x1x64xf32>
    %mul3A_38 = vector.broadcast %get3A_37 : vector<1x1x64xf32> to vector<32x200x64xf32>
    %mul3A_39 = arith.mulf %mul3A_33, %mul3A_38 : vector<32x200x64xf32>
    %swap3A = arith.constant 0 : index
    %swap3A_40 = arith.constant 0 : index
    %swap3A_41 = arith.constant 0 : index
    %swap3A_42 = vector.load %arg5[%swap3A, %swap3A_40, %swap3A_41] : memref<32x200x64xf32, #tpu.memory_space<vmem>>, vector<32x200x64xf32>
    tpu.vector_store %arg5[%swap3A, %swap3A_40, %swap3A_41], %mul3A_39 {strides = array<i32>} : memref<32x200x64xf32, #tpu.memory_space<vmem>>, vector<32x200x64xf32>,
    return
  }
  func.func @transform_0(%arg0: i32) -> (i32, i32, i32) {
    %c0_i32 = arith.constant 0 : i32
    %c0_i32_0 = arith.constant 0 : i32
    %c0_i32_1 = arith.constant 0 : i32
    return %arg0, %c0_i32, %c0_i32_0 : i32, i32, i32
  }
  func.func @transform_1(%arg0: i32) -> (i32, i32, i32) {
    %c0_i32 = arith.constant 0 : i32
    %c0_i32_0 = arith.constant 0 : i32
    %c0_i32_1 = arith.constant 0 : i32
    return %arg0, %c0_i32, %c0_i32_0 : i32, i32, i32
  }
  func.func @transform_2(%arg0: i32) -> (i32, i32, i32) {
    %c0_i32 = arith.constant 0 : i32
    %c0_i32_0 = arith.constant 0 : i32
    %c0_i32_1 = arith.constant 0 : i32
    %c0_i32_2 = arith.constant 0 : i32
    return %c0_i32, %c0_i32_0, %c0_i32_1 : i32, i32, i32
  }
  func.func @transform_3(%arg0: i32) -> (i32, i32, i32) {
    %c0_i32 = arith.constant 0 : i32
    %c0_i32_0 = arith.constant 0 : i32
    %c0_i32_1 = arith.constant 0 : i32
    %c0_i32_2 = arith.constant 0 : i32
    return %c0_i32, %c0_i32_0, %c0_i32_1 : i32, i32, i32
  }
  func.func @transform_4(%arg0: i32) -> (i32, i32, i32) {
    %c0_i32 = arith.constant 0 : i32
    %c0_i32_0 = arith.constant 0 : i32
    %c0_i32_1 = arith.constant 0 : i32
    return %arg0, %c0_i32, %c0_i32_0 : i32, i32, i32
  }
}

</mosaic_0001>

<sc_bundles>
// kernel: kernel.4.cloned.1.call-start
scs
__scs_entry_jumppad:
0x0: {  	(pc) =	sbr.rel $0x88, $3  }
0x1: {  	(tag) =	ssettag $0x0;
	lr =	simm.s32 $0x1  }
0x2: {  	[smem:$0x3F9D] =	sst lr;
	_ =	strace $0xD0000000  }
0x3: {  	_ = 	snop  }
0x4: {  	_ = 	snop  }
0x5: {  	_ = 	snop  }
0x6: {  	_ = 	snop  }
0x7: {  	_ = 	snop  }
__scs_overlays_trampoline_lowered:
0x8: {  	[smem:$0x3FAC] =	sst s0  }
0x9: {  	[smem:$0x3FAD] =	sst s1  }
0xa: {  	[smem:$0x3FAE] =	sst s2  }
0xb: {  	[smem:$0x3FAF] =	sst s3  }
0xc: {  	[smem:$0x3FB0] =	sst s4  }
0xd: {  	[smem:$0x3FB1] =	sst s5  }
0xe: {  	[smem:$0x3FB2] =	sst s6  }
0xf: {  	[smem:$0x3FB3] =	sst s7  }
0x10: {  	[smem:$0x3FB4] =	sst s8  }
0x11: {  	[smem:$0x3FB5] =	sst s9;
	s0 =	simm.s32 @!p0 $0x0  }
0x12: {  	s1 =	sld [smem:$0x3F9B];
	s0 =	simm.s32 @p0 $0x1  }
0x13: {  	[smem:$0x3FB6] =	sst s0;
	s0 =	simm.s32 @!p1 $0x0  }
0x14: {  	s2 =	sld [smem:$0x3F9A];
	s0 =	simm.s32 @p1 $0x1  }
0x15: {  	[smem:$0x3FB7] =	sst s0;
	s0 =	simm.s32 @!p2 $0x0  }
0x16: {  	s3 =	sld [smem:$0x3FDB];
	s0 =	simm.s32 @p2 $0x1  }
0x17: {  	s4 =	simm.s32 $0x1BF5;
	[smem:$0x3FB9] =	sst s0  }
0x18: {  	s0 =	sld [smem:$0x3F9C];
	_ =	swait.ge [sflag:s4], $0x0  }
0x19: {  	s7 =	sld [smem:$0x3F9D]  }
0x1a: {  	s8 =	sadd.s32 $0xFFFFE003, lr  }
0x1b: {  	s9 =	sadd.s32 $0xFFFFFEF7, lr;
	s5 =	simm.s32 $0xFFFFFFFF;
	p2 =	slt.u32 s8, $0xFFFFF086  }
0x1c: {  	p1 =	slt.u32 s9, $0xF7A;
	s5 =	simm.s32 @!p2 $0x0  }
0x1d: {  	s5 =	simm.s32 @p1 $0x1;
	p0 =	seq.s32 s7, s2  }
0x1e: {  	s7 =	smul.u32 @!p0 $0xF7A, s2;
	p2 =	seq.s32 @!p0 s5, $0x0  }
0x1f: {  	s9 =	smul.u32 $0xF7A, s1;
	s8 =	simm.s32 @!p0 $0x1BF5;
	p2 =	por !p2, p0  }
0x20: {  	[sflag:s8] =	ssyncset.s32 @!p0 $0xFFFFF086;
	s6 =	sadd.s32 @!p0 s3, s7;
	s7 =	simm.s32 @!p0 $0x108  }
0x21: {  	s3 =	sadd.s32 s3, s9;
	s6 =	sadd.s32 @!p0 $0x88, s6;
	s7 =	simm.s32 @p2 $0x1082  }
0x22: {  	[simem:s7], [sflag:s8] =	dma.local @!p0 [hbm:s6], $0xF7A  }
0x23: {  	s9 =	sor.u32 $0xD0000000, s2;
	s6 =	simm.s32 $0x108;
	_ =	swait.ge @!p0 [sflag:s8], $0x0  }
0x24: {  	s3 =	sadd.s32 $0x88, s3;
	s6 =	simm.s32 @!p1 $0x1082;
	[sflag:s4] =	ssyncset.s32 $0xFFFFF086  }
0x25: {  	[simem:s6], [sflag:s4] =	dma.local [hbm:s3], $0xF7A  }
0x26: {  	[smem:$0x3F9D] =	sst s1;
	(tag) =	ssettag s2;
	_ =	strace s9  }
0x27: {  	s1 =	sld [smem:$0x3FAD]  }
0x28: {  	s2 =	sld [smem:$0x3FAE]  }
0x29: {  	s4 =	sld [smem:$0x3FB0]  }
0x2a: {  	p0 =	seq.s32 s5, $0x0;
	s5 =	sld [smem:$0x3FB1]  }
0x2b: {  	s6 =	sld [smem:$0x3FB2]  }
0x2c: {  	s7 =	sld [smem:$0x3FB3]  }
0x2d: {  	s3 =	simm.s32 $0x108;
	s8 =	sld [smem:$0x3FB4]  }
0x2e: {  	s3 =	simm.s32 @!p0 $0x1082;
	s9 =	sld [smem:$0x3FB5]  }
0x2f: {  	lr =	sadd.s32 s0, s3;
	s0 =	sld [smem:$0x3FAC]  }
0x30: {  	s3 =	sld [smem:$0x3FAF]  }
0x31: {  	[smem:$0x3FB8] =	sst s10  }
0x32: {  	s10 =	sld [smem:$0x3FB6];
	_ =	sdelay $0x3  }
0x33: {  	p0 =	seq.s32 s10, $0x1;
	s10 =	sld [smem:$0x3FB8];
	_ =	sdelay $0x3  }
0x34: {  	[smem:$0x3FB8] =	sst s10  }
0x35: {  	s10 =	sld [smem:$0x3FB7];
	_ =	sdelay $0x3  }
0x36: {  	p1 =	seq.s32 s10, $0x1;
	s10 =	sld [smem:$0x3FB8];
	_ =	sdelay $0x3  }
0x37: {  	[smem:$0x3FB8] =	sst s10  }
0x38: {  	s10 =	sld [smem:$0x3FB9]  }
0x39: {  	_ = 	snop;
	(pc) =	sbr.ind lr, $3  }
0x3a: {  	_ = 	snop  }
0x3b: {  	_ = 	snop  }
0x3c: {  	p2 =	seq.s32 s10, $0x1;
	s10 =	sld [smem:$0x3FB8]  }
0x3d: {  	_ =	shalt  }
0x3e: {  	_ =	shalt  }
0x3f: {  	_ =	shalt  }
0x40: {  	_ =	shalt  }
0x41: {  	_ =	shalt  }
0x42: {  	_ =	shalt  }
0x43: {  	_ =	shalt  }
0x44: {  	_ =	shalt  }
0x45: {  	_ =	shalt  }
0x46: {  	_ =	shalt  }
0x47: {  	_ =	shalt  }
0x48: {  	_ =	shalt  }
0x49: {  	_ =	shalt  }
0x4a: {  	_ =	shalt  }
0x4b: {  	_ =	shalt  }
0x4c: {  	_ =	shalt  }
0x4d: {  	_ =	shalt  }
0x4e: {  	_ =	shalt  }
0x4f: {  	_ =	shalt  }
0x50: {  	_ =	shalt  }
0x51: {  	_ =	shalt  }
0x52: {  	_ =	shalt  }
0x53: {  	_ =	shalt  }
0x54: {  	_ =	shalt  }
0x55: {  	_ =	shalt  }
0x56: {  	_ =	shalt  }
0x57: {  	_ =	shalt  }
0x58: {  	_ =	shalt  }
0x59: {  	_ =	shalt  }
0x5a: {  	_ =	shalt  }
0x5b: {  	_ =	shalt  }
0x5c: {  	_ =	shalt  }
0x5d: {  	_ =	shalt  }
0x5e: {  	_ =	shalt  }
0x5f: {  	_ =	shalt  }
0x60: {  	_ =	shalt  }
0x61: {  	_ =	shalt  }
0x62: {  	_ =	shalt  }
0x63: {  	_ =	shalt  }
0x64: {  	_ =	shalt  }
0x65: {  	_ =	shalt  }
0x66: {  	_ =	shalt  }
0x67: {  	_ =	shalt  }
0x68: {  	_ =	shalt  }
0x69: {  	_ =	shalt  }
0x6a: {  	_ =	shalt  }
0x6b: {  	_ =	shalt  }
0x6c: {  	_ =	shalt  }
0x6d: {  	_ =	shalt  }
0x6e: {  	_ =	shalt  }
0x6f: {  	_ =	shalt  }
0x70: {  	_ =	shalt  }
0x71: {  	_ =	shalt  }
0x72: {  	_ =	shalt  }
0x73: {  	_ =	shalt  }
0x74: {  	_ =	shalt  }
0x75: {  	_ =	shalt  }
0x76: {  	_ =	shalt  }
0x77: {  	_ =	shalt  }
0x78: {  	_ =	shalt  }
0x79: {  	_ =	shalt  }
0x7a: {  	_ =	shalt  }
0x7b: {  	_ =	shalt  }
0x7c: {  	_ =	shalt  }
0x7d: {  	_ =	shalt  }
0x7e: {  	_ =	shalt  }
0x7f: {  	_ =	shalt  }
0x80: {  	_ =	shalt  }
0x81: {  	_ =	shalt  }
0x82: {  	_ =	shalt  }
0x83: {  	_ =	shalt  }
0x84: {  	_ =	shalt  }
0x85: {  	_ =	shalt  }
0x86: {  	_ =	shalt  }
0x87: {  	_ =	shalt  }
.Lfunc_end0:
.L_simem_size_0:
called_computation_lowered:
.L_overlay_start_0:
0x88: {  	s2 =	sld [smem:$0x3FD9]  }
0x89: {  	s3 =	sld [smem:$0x3FFE];
	_ =	sdelay $0x1  }
0x8a: {  	s1 =	srdreg.scid  }
0x8b: {  	s0 =	sand.u32 $0x1, s1  }
0x8c: {  	s17 =	sshll.u32 s0, $0xA;
	s2 =	sadd.s32 s3, s2  }
0x8d: {  	s2 =	sadd.s32 s2, s17  }
0x8e: {  	[smem:$0x3FC4] =	sst s2  }
0x8f: {  	_ = 	snop  }
0x90: {  	s2 =	sld [smem:$0x3FD0];
	(tm) =	ssettm $0x1  }
0x91: {  	s18 =	sld [smem:$0x3FFB];
	_ =	sdelay $0x3  }
0x92: {  	_ =	strace s18  }
0x93: {  	s3 =	sld [smem:$0x3FFC];
	_ =	sdelay $0x3  }
0x94: {  	_ =	strace s3  }
0x95: {  	s3 =	sld [smem:$0x3FFD];
	_ =	sdelay $0x3  }
0x96: {  	_ =	strace s3  }
0x97: {  	_ =	strace $0x8FFFFFFF  }
0x98: {  	s19 =	sld [smem:$0x3FDB];
	_ =	sdelay $0x1  }
0x99: {  	s4 =	simm.s32 $_scs_section_size  }
0x9a: {  	s5 =	simm.s32 $_size__tile_overlayer_lowered;
	s6 =	simm.s32 $_tile_overlayer_lowered  }
0x9b: {  	s22 =	simm.s32 $0x1BFF;
	s21 =	sshll.u32 s6, $0x1;
	s3 =	sadd.s32 s4, s19  }
0x9c: {  	s7 =	simm.s32 $0x0;
	s20 =	sshll.u32 s5, $0x1;
	s5 =	sadd.s32 s21, s3  }
0x9d: {  	[timem:s7], [sflag:s22] =	dma.local [hbm:s5], s20  }
0x9e: {  	_ =	swait.ge [sflag:s22], s20  }
0x9f: {  	s4 =	ssub.s32 $0x0, s20;
	[sflag:s22] =	ssyncset.done $0x0  }
0xa0: {  	[sflag:s22] =	ssyncadd.s32 s4;
	_ =	sdelay $0x1  }
0xa1: {  	s23 =	simm.s32 $0x1B8B  }
0xa2: {  	_ =	swait.ge [sflag:s23], $0x1  }
0xa3: {  	[sflag:s23] =	ssyncset.done $0x0  }
0xa4: {  	s25 =	simm.s32 $0x1B8E;
	s24 =	sld [smem:$0x3FFE];
	[sflag:s23] =	ssyncadd.s32 $0xFFFFFFFF  }
0xa5: {  	s26 =	simm.s32 $execute0_lowered;
	[smem:$0x3FD2] =	sst s25  }
0xa6: {  	s5 =	sshll.u32 s26, $0x1;
	_ =	strace $0x80000046;
	[dreg:$0x1] =	wrdreg $0xFFFFFFFF  }
0xa7: {  	s28 =	simm.s32 $_size_execute0_lowered;
	s3 =	sadd.s32 s3, s5;
	[dreg:$0x0] =	wrdreg $0x0  }
0xa8: {  	s5 =	sshll.u32 s28, $0x1;
	[dreg:$0x2] =	wrdreg s3  }
0xa9: {  	[dreg:$0x3] =	wrdreg s5  }
0xaa: {  	[dreg:$0x4] =	wrdreg $0xC0  }
0xab: {  	_ =	task [dreg:s7], $0x5FFFF  }
0xac: {  	[dreg:$0x1] =	wrdreg $0xFFFFFFFF  }
0xad: {  	[dreg:$0x0] =	wrdreg $0x60  }
0xae: {  	[dreg:$0x2] =	wrdreg s24  }
0xaf: {  	[dreg:$0x3] =	wrdreg s2  }
0xb0: {  	[dreg:$0x4] =	wrdreg $0x9  }
0xb1: {  	_ =	task.clear_ibuf [dreg:s7], $0x5FFFF;
	_ =	strace $0x90000046  }
0xb2: {  	s29 =	simm.s32 $0x9;
	_ =	strace $0x80000048  }
0xb3: {  	_ =	swait.ge [sflag:s29], $0x1  }
0xb4: {  	[sflag:s29] =	ssyncadd.s32 $0xFFFFFFFF  }
0xb5: {  	_ =	strace $0x90000048  }
0xb6: {  	_ =	sfence  }
0xb7: {  	s30 =	sld [smem:$0x0];
	_ =	sdelay $0x2  }
0xb8: {  	s31 =	sshll.u32 s1, $0xD;
	s1 =	sshrl.u32 s1, $0x2  }
0xb9: {  	s3 =	sand.u32 $0x4000, s31;
	s1 =	sadd.s32 s1, s30  }
0xba: {  	s0 =	sor.u32 s3, s0;
	s1 =	sshll.u32 s1, $0x11  }
0xbb: {  	s0 =	sor.u32 s1, s0  }
0xbc: {  	s0 =	sadd.s32 $0x8F2B, s0  }
0xbd: {  	[sflag:s0] =	ssyncadd.remote.s32 $0x1  }
0xbe: {  	_ =	sfence.sel $0xFFFF  }
0xbf: {  	[dreg:$0x0] =	wrdreg $0xFFFFFFFF;
	(pc) =	sbr.abs _section_cstart, $3  }
0xc0: {  	[dreg:$0x1] =	wrdreg $0xFFFFFFFF  }
0xc1: {  	_ =	task.clear_ibuf [dreg:s7], $0x2FFFF;
	_ =	strace $0x9FFFFFFF  }
0xc2: {  	(tm) =	ssettm $0x7FFFFFFF  }
0xc3: {  	_ =	shalt  }
tec
execute0_lowered:
.L_overlay_start_1:
0x0: {  	(tag) =	ssettag $0x1  }
0x1: {  	s4 =	rddreg [dreg:$0x0]  }
0x2: {  	s11 =	rddreg [dreg:$0x1]  }
0x3: {  	s0 =	rddreg [dreg:$0x2]  }
0x4: {  	s3 =	srdreg.scid;
	s1 =	stileid.u32  }
0x5: {  	s2 =	simm.s32 $0x0;
	s16 =	simm.s32 $0x1;
	s17 =	simm.s32 $0x2  }
0x6: {  	s18 =	simm.s32 $0x3;
	s19 =	simm.s32 $0x4;
	s13 =	smul.u32 $0xC800, s1  }
0x7: {  	s20 =	simm.s32 $0x0;
	s9 =	sand.u32 $0x1, s3;
	s15 =	smul.u32 $0xC8000, s1  }
0x8: {  	s25 =	sshll.u32 s1, $0x1;
	[smem:$0x7FF] =	sst s2;
	s14 =	smul.u32 $0x6400, s9  }
0x9: {  	s5 =	ssub.s32 $0x2, s9;
	s6 =	sor.u32 s9, s25;
	s9 =	smul.u32 $0x64000, s9  }
0xa: {  	s3 =	sadd.s32 $0xF42E00, s4;
	s10 =	sadd.s32 $0xA00, s4;
	s8 =	smul.u32 $0x6400, s6  }
0xb: {  	_ =	strace $0x80000047;
	s7 =	sshrl.u32 s5, $0x1;
	s6 =	smul.u32 $0x64000, s6  }
0xc: {  	s12 =	ssub.s32 s5, s7;
	s30 =	sadd.s32 s14, s13;
	s14 =	simm.s32 $0x100  }
0xd: {  	s26 =	sshrl.u32 s8, $0x3;
	s28 =	sor.u32 $0x80, s8;
	s6 =	sadd.s32 s10, s6  }
0xe: {  	s8 =	smax.u32 s12, $0x1;
	s13 =	sor.u32 $0x180, s30;
	s12 =	sor.u32 $0x100, s30  }
0xf: {  	s4 =	sadd.s32 s11, s26;
	s29 =	sshrl.u32 s28, $0x3;
	s7 =	sshll.u32 s28, $0x4  }
0x10: {  	s31 =	sshrl.u32 s13, $0x3;
	s12 =	sshrl.u32 s12, $0x3;
	s13 =	simm.s32 $0x80  }
0x11: {  	s5 =	sadd.s32 s11, s29;
	s7 =	sadd.s32 s10, s7;
	s10 =	sadd.s32 s15, s10  }
0x12: {  	s15 =	simm.s32 $0x4100;
	s9 =	sadd.s32 s9, s10;
	s10 =	sadd.s32 s31, s11  }
0x13: {  	s11 =	sadd.s32 s12, s11;
	s12 =	simm.s32 $0x5;
	s9 =	sadd.s32 $0x1000, s9  }
.LBB2_1:
0x14: {  	[tilespmem:s2], [sflag:$0x5] =	stream.linear.gather [hbm4b:s4+s2], $0x80, $0x38;
	[tilespmem:$0x8100] =	vst v63  }
0x15: {  	_ =	swait.ge [sflag:s12], $0x80  }
0x16: {  	[sflag:s12] =	ssyncset.done $0x0  }
0x17: {  	[sflag:s12] =	ssyncadd.s32 $0xFFFFFF80  }
0x18: {  	[tilespmem:s14], [sflag:$0x1] =	stream.indirect.gather [hbm4b:s3+s13], $0x80, s2, s13, $0xb8;
	[tilespmem:$0x8100] =	vst v63  }
0x19: {  	_ = 	snop  }
0x1a: {  	[tilespmem:s13], [sflag:$0x5] =	stream.linear.gather [hbm4b:s5+s2], $0x80, $0x38;
	[tilespmem:$0x8100] =	vst v63  }
0x1b: {  	_ =	swait.ge [sflag:s12], $0x80  }
0x1c: {  	[sflag:s12] =	ssyncset.done $0x0  }
0x1d: {  	[sflag:s12] =	ssyncadd.s32 $0xFFFFFF80  }
0x1e: {  	[tilespmem:s15], [sflag:$0x2] =	stream.indirect.gather [hbm4b:s3+s13], $0x80, s13, s13, $0xb8;
	[tilespmem:$0x8100] =	vst v63  }
0x1f: {  	_ =	swait.ge [sflag:s16], $0x4000  }
0x20: {  	[sflag:s16] =	ssyncset.done $0x0  }
0x21: {  	[sflag:s16] =	ssyncadd.s32 $0xFFFFC000  }
0x22: {  	[hbm4b:s6+s2] =	stream.linear.scatter [tilespmem:s14], [sflag:$0x3], $0x4000, $0x38;
	[tilespmem:$0x8100] =	vst v63  }
0x23: {  	_ =	swait.ge [sflag:s17], $0x4000  }
0x24: {  	[sflag:s17] =	ssyncset.done $0x0  }
0x25: {  	[sflag:s17] =	ssyncadd.s32 $0xFFFFC000  }
0x26: {  	[hbm4b:s7+s2] =	stream.linear.scatter [tilespmem:s15], [sflag:$0x4], $0x4000, $0x38;
	[tilespmem:$0x8100] =	vst v63  }
0x27: {  	_ =	swait.ge [sflag:s18], $0x4000  }
0x28: {  	[sflag:s18] =	ssyncset.done $0x0  }
0x29: {  	s21 =	sadd.s32 $0x0, s11;
	[sflag:s18] =	ssyncadd.s32 $0xFFFFC000  }
0x2a: {  	[tilespmem:s2], [sflag:$0x5] =	stream.linear.gather [hbm4b:s21+s2], $0x80, $0x38;
	[tilespmem:$0x8100] =	vst v63  }
0x2b: {  	_ =	swait.ge [sflag:s12], $0x80  }
0x2c: {  	[sflag:s12] =	ssyncset.done $0x0  }
0x2d: {  	[sflag:s12] =	ssyncadd.s32 $0xFFFFFF80  }
0x2e: {  	[tilespmem:s14], [sflag:$0x1] =	stream.indirect.gather [hbm4b:s3+s13], $0x80, s2, s13, $0xb8;
	[tilespmem:$0x8100] =	vst v63  }
0x2f: {  	_ =	swait.ge [sflag:s19], $0x4000  }
0x30: {  	[sflag:s19] =	ssyncset.done $0x0  }
0x31: {  	s31 =	sadd.s32 $0x0, s10;
	[sflag:s19] =	ssyncadd.s32 $0xFFFFC000  }
0x32: {  	[tilespmem:s13], [sflag:$0x5] =	stream.linear.gather [hbm4b:s31+s2], $0x80, $0x38;
	[tilespmem:$0x8100] =	vst v63  }
0x33: {  	_ =	swait.ge [sflag:s12], $0x80  }
0x34: {  	[sflag:s12] =	ssyncset.done $0x0  }
0x35: {  	[sflag:s12] =	ssyncadd.s32 $0xFFFFFF80  }
0x36: {  	[tilespmem:s15], [sflag:$0x2] =	stream.indirect.gather [hbm4b:s3+s13], $0x80, s13, s13, $0xb8;
	[tilespmem:$0x8100] =	vst v63  }
0x37: {  	_ =	swait.ge [sflag:s16], $0x4000  }
0x38: {  	[sflag:s16] =	ssyncset.done $0x0  }
0x39: {  	[sflag:s16] =	ssyncadd.s32 $0xFFFFC000  }
0x3a: {  	[hbm4b:s9+s2] =	stream.linear.scatter [tilespmem:s14], [sflag:$0x3], $0x4000, $0x38;
	[tilespmem:$0x8100] =	vst v63  }
0x3b: {  	_ =	swait.ge [sflag:s17], $0x4000  }
0x3c: {  	s23 =	sadd.s32 $0x800, s9;
	[sflag:s17] =	ssyncset.done $0x0  }
0x3d: {  	s22 =	sadd.s32 $0x1000, s9;
	s21 =	simm.s32 $0x20;
	[sflag:s17] =	ssyncadd.s32 $0xFFFFC000  }
.LBB2_2:
0x3e: {  	[hbm4b:s23+s2] =	stream.linear.scatter [tilespmem:s15], [sflag:$0x4], $0x4000, $0x38;
	[tilespmem:$0x8100] =	vst v63  }
0x3f: {  	s23 =	smov.u32 s21  }
0x40: {  	p0 =	sne.s32 s21, $0xC40;
	s21 =	sadd.s32 $0x20, s21;
	_ =	swait.ge [sflag:s18], $0x4000  }
0x41: {  	[sflag:s18] =	ssyncset.done $0x0  }
0x42: {  	s24 =	sadd.s32 s23, s11;
	[sflag:s18] =	ssyncadd.s32 $0xFFFFC000  }
0x43: {  	[tilespmem:s2], [sflag:$0x5] =	stream.linear.gather [hbm4b:s24+s2], $0x80, $0x38;
	[tilespmem:$0x8100] =	vst v63  }
0x44: {  	_ =	swait.ge [sflag:s12], $0x80  }
0x45: {  	[sflag:s12] =	ssyncset.done $0x0  }
0x46: {  	[sflag:s12] =	ssyncadd.s32 $0xFFFFFF80  }
0x47: {  	[tilespmem:s14], [sflag:$0x1] =	stream.indirect.gather [hbm4b:s3+s13], $0x80, s2, s13, $0xb8;
	[tilespmem:$0x8100] =	vst v63  }
0x48: {  	_ =	swait.ge [sflag:s19], $0x4000  }
0x49: {  	[sflag:s19] =	ssyncset.done $0x0  }
0x4a: {  	s23 =	sadd.s32 s23, s10;
	[sflag:s19] =	ssyncadd.s32 $0xFFFFC000  }
0x4b: {  	[tilespmem:s13], [sflag:$0x5] =	stream.linear.gather [hbm4b:s23+s2], $0x80, $0x38;
	[tilespmem:$0x8100] =	vst v63  }
0x4c: {  	_ =	swait.ge [sflag:s12], $0x80  }
0x4d: {  	[sflag:s12] =	ssyncset.done $0x0  }
0x4e: {  	[sflag:s12] =	ssyncadd.s32 $0xFFFFFF80  }
0x4f: {  	[tilespmem:s15], [sflag:$0x2] =	stream.indirect.gather [hbm4b:s3+s13], $0x80, s13, s13, $0xb8;
	[tilespmem:$0x8100] =	vst v63  }
0x50: {  	_ =	swait.ge [sflag:s16], $0x4000  }
0x51: {  	[sflag:s16] =	ssyncset.done $0x0  }
.Ltmp0:
0x52: {  	[sflag:s16] =	ssyncadd.s32 $0xFFFFC000;
	(pc) =	sbr.rel @p0 .LBB2_2-.Ltmp0, $4  }
0x53: {  	[hbm4b:s22+s2] =	stream.linear.scatter [tilespmem:s14], [sflag:$0x3], $0x4000, $0x38;
	[tilespmem:$0x8100] =	vst v63  }
0x54: {  	_ =	swait.ge [sflag:s17], $0x4000  }
0x55: {  	[sflag:s17] =	ssyncset.done $0x0  }
0x56: {  	s23 =	sadd.s32 $0x800, s22;
	s22 =	sadd.s32 $0x1000, s22;
	[sflag:s17] =	ssyncadd.s32 $0xFFFFC000  }
0x57: {  	[hbm4b:s23+s2] =	stream.linear.scatter [tilespmem:s15], [sflag:$0x4], $0x4000, $0x38;
	[tilespmem:$0x8100] =	vst v63  }
0x58: {  	s20 =	sadd.s32 $0x1, s20  }
0x59: {  	_ =	swait.ge [sflag:s18], $0x4000;
	p0 =	sne.s32 s20, s8  }
.Ltmp1:
0x5a: {  	[sflag:s18] =	ssyncset.done $0x0;
	(pc) =	sbr.rel @p0 .LBB2_1-.Ltmp1, $4  }
0x5b: {  	[sflag:s18] =	ssyncadd.s32 $0xFFFFC000  }
0x5c: {  	_ =	swait.ge [sflag:s19], $0x4000  }
0x5d: {  	[sflag:s19] =	ssyncset.done $0x0  }
0x5e: {  	[sflag:s19] =	ssyncadd.s32 $0xFFFFC000  }
0x5f: {  	_ =	sfence.sel $0x180000  }
0x60: {  	[bflag:$0x0] =	sbarrier.arrive $0xFFFF  }
0x61: {  	p0 =	sne.s32 s1, $0x0;
	_ =	strace $0x90000047  }
0x62: {  	s0 =	sadd.s32 @!p0 $0x100000, s0;
	[bflag:$0x2] =	sbarrier.arrive $0xFFFF  }
0x63: {  	[sflag:s0] =	ssyncadd.tile.s32 @!p0 $0x1;
	_ =	shalt  }
.Lfunc_end2:
_tile_overlayer_lowered:
.L_overlay_start_2:
0x64: {  	(tag) =	ssettag $0x2  }
0x65: {  	s0 =	rddreg [dreg:$0x0];
	s2 =	stileid.u32  }
0x66: {  	s1 =	rddreg [dreg:$0x1];
	p0 =	sne.s32 s2, $0x0  }
0x67: {  	s3 =	rddreg [dreg:$0x2];
	[bflag:$0x3] =	sbarrier.arrive $0xFFFF;
	s2 =	simm.s32 @!p0 $0x1C05  }
0x68: {  	[timem:s3], [sflag:s2] =	dma.local @!p0 [hbm:s0], s1  }
0x69: {  	s0 =	simm.s32 @!p0 $0x5  }
0x6a: {  	_ =	swait.ge @!p0 [sflag:s0], s1  }
0x6b: {  	s1 =	ssub.s32 @!p0 $0x0, s1;
	[sflag:s0] =	ssyncset.done @!p0 $0x0  }
0x6c: {  	[sflag:s0] =	ssyncadd.s32 @!p0 s1  }
0x6d: {  	[bflag:$0x3] =	sbarrier.arrive $0xFFFF  }
0x6e: {  	_ =	shalt  }

</sc_bundles>
